<compile_context>
chip_gen: v7x
topology: tpu7x:2x2x1
jax: 0.10.2.dev20260603
libtpu: 0.0.44.dev20260713+nightly
codegen_flags: <defaults>
</compile_context>

<pallas_src>
import dataclasses
import functools

import jax
import jax.numpy as jnp
from jax import lax
from jax.experimental import pallas as pl
from jax.experimental.pallas import tpu as pltpu
from jax.experimental.pallas import tpu_sc as plsc

N = 50000
NPAD = 50048
NBLK = NPAD // 128
E = 300000
NCHUNK = 152
EPAD = 16 * NCHUNK * 128
EROWS = EPAD // 128

NF = 8
FW = 128 // NF
ROWS_PER_TILE = NPAD // 16
ZROWS = 184
NZ = ROWS_PER_TILE // ZROWS
EPT = EPAD // 16

_mesh = plsc.VectorSubcoreMesh(core_axis_name="c", subcore_axis_name="s")

_sc_params = pltpu.CompilerParams()
if "needs_layout_passes" in pltpu.CompilerParams.__dataclass_fields__:
    _sc_params = dataclasses.replace(_sc_params, needs_layout_passes=False)
_sc_linear_params = _sc_params
if "use_tc_tiling_on_sc" in pltpu.CompilerParams.__dataclass_fields__:
    _sc_linear_params = dataclasses.replace(
        _sc_linear_params, use_tc_tiling_on_sc=False)



@jax.jit
def _deg_call(cols0, cols1):
    @functools.partial(
        pl.kernel,
        mesh=_mesh,
        out_type=[jax.ShapeDtypeStruct((16, NPAD), jnp.float32)] * 2,
        compiler_params=_sc_params,
        scratch_types=[
            pltpu.VMEM((NCHUNK, 128), jnp.int32),
            pltpu.VMEM((NPAD,), jnp.float32),
        ],
    )
    def deg_kernel(c0_hbm, c1_hbm, p0_hbm, p1_hbm, colv, hist):
        c = lax.axis_index("c")
        s = lax.axis_index("s")

        @pl.loop(0, NPAD // 16)
        def _(i):
            hist[pl.ds(i * 16, 16)] = jnp.zeros((16,), jnp.float32)

        def per_core(cols_hbm, part_hbm):
            pltpu.sync_copy(cols_hbm.at[pl.ds(s * NCHUNK, NCHUNK)], colv)

            @pl.loop(0, NCHUNK)
            def _(j):
                @pl.loop(0, 8)
                def _(k):
                    idx = colv[j, pl.ds(k * 16, 16)]
                    plsc.addupdate_scatter(hist, [idx],
                                           jnp.ones((16,), jnp.float32))

            pltpu.sync_copy(hist, part_hbm.at[s])

        @pl.when(c == 0)
        def _():
            per_core(c0_hbm, p0_hbm)

        @pl.when(c == 1)
        def _():
            per_core(c1_hbm, p1_hbm)

    return deg_kernel(cols0, cols1)


def _degreduce_body(p0_ref, p1_ref, d0_ref, d1_ref):
    d0_ref[...] = lax.rsqrt(jnp.sum(p0_ref[...], axis=0, keepdims=True) + 1.0)
    d1_ref[...] = lax.rsqrt(jnp.sum(p1_ref[...], axis=0, keepdims=True) + 1.0)


@jax.jit
def _degreduce(p0, p1):
    pspec = pl.BlockSpec((16, 2944), lambda i: (0, i))
    ospec = pl.BlockSpec((1, 2944), lambda i: (0, i))
    return pl.pallas_call(
        _degreduce_body,
        grid=(NPAD // 2944,),
        in_specs=[pspec, pspec],
        out_specs=[ospec, ospec],
        out_shape=[jax.ShapeDtypeStruct((1, NPAD), jnp.float32)] * 2,
    )(p0, p1)



@jax.jit
def _agg_dual(rows0, cols0, y40, rows1, cols1, y41):
    @functools.partial(
        pl.kernel,
        mesh=_mesh,
        out_type=[jax.ShapeDtypeStruct((NPAD, 128), jnp.float32)] * 2,
        compiler_params=_sc_linear_params,
        scratch_types=[
            pltpu.VMEM((NCHUNK, 128), jnp.int32),
            pltpu.VMEM((NCHUNK, 128), jnp.int32),
            pltpu.VMEM((NCHUNK, 128), jnp.int32),
            pltpu.VMEM((128, FW), jnp.float32),
            pltpu.VMEM((128, FW), jnp.float32),
            pltpu.VMEM((128, FW), jnp.float32),
            pltpu.VMEM((128, FW), jnp.float32),
            pltpu.VMEM((ZROWS, FW), jnp.float32),
            pltpu.VMEM((ZROWS, FW), jnp.float32),
            pltpu.VMEM_SHARED((NPAD, FW), jnp.float32),
            pltpu.SemaphoreType.DMA,
            pltpu.SemaphoreType.DMA,
            pltpu.SemaphoreType.DMA,
            pltpu.SemaphoreType.DMA,
            pltpu.SemaphoreType.DMA,
            pltpu.SemaphoreType.DMA,
            pltpu.SemaphoreType.DMA,
            pltpu.SemaphoreType.DMA,
        ],
    )
    def agg_kernel(rows0_hbm, cols0_hbm, y40_hbm, rows1_hbm, cols1_hbm,
                   y41_hbm, agg0_hbm, agg1_hbm,
                   rowv, idxf, colv, m0, m1, m2, m3, zb, bounce, accum,
                   g0, g1, g2, g3, s0, s1, s2, s3):
        c = lax.axis_index("c")
        s = lax.axis_index("s")
        msgs = (m0, m1, m2, m3)
        gsems = (g0, g1, g2, g3)
        ssems = (s0, s1, s2, s3)

        @pl.loop(0, ZROWS)
        def _(i):
            zb[i, pl.ds(0, 16)] = jnp.zeros((16,), jnp.float32)

        def per_core(rows_hbm, cols_hbm, y4_hbm, agg_hbm):
            base = s * ROWS_PER_TILE
            esl = pl.ds(s * NCHUNK, NCHUNK)
            pltpu.sync_copy(rows_hbm.at[esl], rowv)
            pltpu.sync_copy(cols_hbm.at[esl], colv)

            @pl.loop(0, NCHUNK)
            def _(j):
                @pl.loop(0, 8)
                def _(k):
                    sl = pl.ds(k * 16, 16)
                    rowv[j, sl] = rowv[j, sl] * NF

            @pl.when(s == 15)
            def _():
                lane = lax.iota(jnp.int32, 16)

                @pl.loop(6, 8)
                def _(k):
                    colv[63, pl.ds(k * 16, 16)] = N + k * 16 + lane - 96

                @pl.loop(64, NCHUNK)
                def _(j):
                    @pl.loop(0, 8)
                    def _(k):
                        r = (j * 8 + k) % 3
                        colv[j, pl.ds(k * 16, 16)] = N + r * 16 + lane

            @pl.loop(0, NF)
            def _(f):
                ysrc = y4_hbm

                @pl.loop(0, NCHUNK)
                def _(j):
                    @pl.loop(0, 8)
                    def _(k):
                        sl = pl.ds(k * 16, 16)
                        idxf[j, sl] = rowv[j, sl] + f

                @pl.loop(0, NZ)
                def _(k):
                    pltpu.sync_copy(zb, accum.at[pl.ds(base + k * ZROWS, ZROWS)])

                plsc.subcore_barrier()

                for b in range(4):
                    pltpu.async_copy(ysrc.at[idxf.at[b]], msgs[b], gsems[b])

                @pl.loop(0, NCHUNK // 4)
                def _(j4):
                    j = j4 * 4
                    for b in range(4):
                        pltpu.make_async_copy(
                            ysrc.at[idxf.at[j + b]], msgs[b], gsems[b]).wait()
                        pltpu.async_copy(
                            msgs[b], accum.at[colv.at[j + b]], ssems[b],
                            add=True)

                    @pl.when(j4 < NCHUNK // 4 - 1)
                    def _():
                        for b in range(4):
                            pltpu.make_async_copy(
                                msgs[b], accum.at[colv.at[j + b]],
                                ssems[b]).wait()
                            pltpu.async_copy(
                                ysrc.at[idxf.at[j + 4 + b]], msgs[b], gsems[b])

                for b in range(4):
                    pltpu.make_async_copy(
                        msgs[b], accum.at[colv.at[NCHUNK - 4 + b]],
                        ssems[b]).wait()
                plsc.subcore_barrier()

                @pl.loop(0, NZ)
                def _(k):
                    sl = pl.ds(base + k * ZROWS, ZROWS)
                    pltpu.sync_copy(accum.at[sl], bounce)
                    pltpu.sync_copy(bounce, agg_hbm.at[sl, pl.ds(f * FW, FW)])

        @pl.when(c == 0)
        def _():
            per_core(rows0_hbm, cols0_hbm, y40_hbm, agg0_hbm)

        @pl.when(c == 1)
        def _():
            per_core(rows1_hbm, cols1_hbm, y41_hbm, agg1_hbm)

    return agg_kernel(rows0, cols0, y40, rows1, cols1, y41)



RB = 2944
NRB = NPAD // RB


def _mm1_body(x_ref, w0_ref, w1_ref, d0_ref, d1_ref, y0_ref, y1_ref):
    xb = x_ref[...]
    y0_ref[...] = d0_ref[...] * jnp.dot(
        xb, w0_ref[...], preferred_element_type=jnp.float32)
    y1_ref[...] = d1_ref[...] * jnp.dot(
        xb, w1_ref[...], preferred_element_type=jnp.float32)


@jax.jit
def _mm1_dual(x2d, w0, w1, dis0, dis1):
    wspec = pl.BlockSpec((128, 128), lambda i: (0, 0))
    dspec = pl.BlockSpec((RB, 1), lambda i: (i, 0))
    nspec = pl.BlockSpec((RB, 128), lambda i: (i, 0))
    return pl.pallas_call(
        _mm1_body,
        grid=(NRB,),
        in_specs=[nspec, wspec, wspec, dspec, dspec],
        out_specs=[nspec, nspec],
        out_shape=[jax.ShapeDtypeStruct((NPAD, 128), jnp.float32)] * 2,
    )(x2d, w0, w1, dis0, dis1)



def _combmm_body(a0, y0, d0, a1, y1, d1, ba, bb, w0_ref, w1_ref,
                 y20_ref, y21_ref):
    dis0 = d0[...]
    dis1 = d1[...]
    h = (dis0 * (a0[...] + y0[...]) + dis1 * (a1[...] + y1[...])
         + ba[...] + bb[...])
    h = jnp.maximum(h, 0.0)
    y20_ref[...] = dis0 * jnp.dot(
        h, w0_ref[...], preferred_element_type=jnp.float32)
    y21_ref[...] = dis1 * jnp.dot(
        h, w1_ref[...], preferred_element_type=jnp.float32)


@jax.jit
def _combmm2(a0, y0, d0, a1, y1, d1, ba, bb, w20, w21):
    nspec = pl.BlockSpec((RB, 128), lambda i: (i, 0))
    dspec = pl.BlockSpec((RB, 1), lambda i: (i, 0))
    bspec = pl.BlockSpec((1, 128), lambda i: (0, 0))
    wspec = pl.BlockSpec((128, 128), lambda i: (0, 0))
    return pl.pallas_call(
        _combmm_body,
        grid=(NRB,),
        in_specs=[nspec, nspec, dspec, nspec, nspec, dspec, bspec, bspec,
                  wspec, wspec],
        out_specs=[nspec, nspec],
        out_shape=[jax.ShapeDtypeStruct((NPAD, 128), jnp.float32)] * 2,
    )(a0, y0, d0, a1, y1, d1, ba, bb, w20, w21)



def _combine2_body(a0, y0, d0, a1, y1, d1, ba, bb, o_ref):
    o_ref[...] = (d0[...] * (a0[...] + y0[...])
                  + d1[...] * (a1[...] + y1[...]) + ba[...] + bb[...])


@jax.jit
def _combine2(a0, y0, d0, a1, y1, d1, ba, bb):
    nspec = pl.BlockSpec((RB, 128), lambda i: (i, 0))
    dspec = pl.BlockSpec((RB, 1), lambda i: (i, 0))
    bspec = pl.BlockSpec((1, 128), lambda i: (0, 0))
    return pl.pallas_call(
        _combine2_body,
        grid=(NRB,),
        in_specs=[nspec, nspec, dspec, nspec, nspec, dspec, bspec, bspec],
        out_specs=nspec,
        out_shape=jax.ShapeDtypeStruct((NPAD, 128), jnp.float32),
    )(a0, y0, d0, a1, y1, d1, ba, bb)



def _prep_edges(edge_index):
    pad = EPAD - E
    rows = jnp.pad(edge_index[0], (0, pad)).reshape(EROWS, 128)
    cols = jnp.pad(edge_index[1], (0, pad),
                   constant_values=N).reshape(EROWS, 128)
    return rows, cols


def kernel(x, edge_index_rel0, edge_index_rel1,
           W1_0, b1_0, W1_1, b1_1, W2_0, b2_0, W2_1, b2_1):
    x_pad = jnp.pad(x, ((0, NPAD - N), (0, 0)))
    rows0, cols0 = _prep_edges(edge_index_rel0)
    rows1, cols1 = _prep_edges(edge_index_rel1)

    p0, p1 = _deg_call(cols0, cols1)
    dis0_row, dis1_row = _degreduce(p0, p1)
    dis0 = dis0_row.reshape(NPAD, 1)
    dis1 = dis1_row.reshape(NPAD, 1)

    y10, y11 = _mm1_dual(x_pad, W1_0, W1_1, dis0, dis1)
    a10, a11 = _agg_dual(rows0, cols0, y10.reshape(NPAD * NF, FW),
                         rows1, cols1, y11.reshape(NPAD * NF, FW))
    y20, y21 = _combmm2(a10, y10, dis0, a11, y11, dis1,
                        b1_0.reshape(1, 128), b1_1.reshape(1, 128),
                        W2_0, W2_1)
    a20, a21 = _agg_dual(rows0, cols0, y20.reshape(NPAD * NF, FW),
                         rows1, cols1, y21.reshape(NPAD * NF, FW))
    out = _combine2(a20, y20, dis0, a21, y21, dis1,
                    b2_0.reshape(1, 128), b2_1.reshape(1, 128))
    return out[:N]

# --- scband reference (transcript-rebuilt; emitter-appended) ---
"""Pipeline reference for scband-hetero-gcn-30709016166547 (READ-ONLY COPY).

The authoritative reference and input builder live on the scoring server;
editing this copy changes nothing except your own understanding.
"""

import jax, jax.numpy as jnp
import numpy as np

N = 50000
D = 128
H = 128
O = 128
E = 300000


def gcn_conv(x, edge_index, W, b, num_nodes):
    # Faithful PyG GCNConv: add self loops, symmetric normalization by in-degree,
    # message = norm * (x @ W)[row], scatter-add at col, then add bias.
    row = edge_index[0]
    col = edge_index[1]
    loop = jnp.arange(num_nodes, dtype=edge_index.dtype)
    row = jnp.concatenate([row, loop])
    col = jnp.concatenate([col, loop])
    deg = jnp.zeros((num_nodes,), dtype=x.dtype).at[col].add(1.0)
    deg_inv_sqrt = jnp.where(deg > 0, deg ** -0.5, 0.0)
    norm = deg_inv_sqrt[row] * deg_inv_sqrt[col]
    xw = x @ W
    msg = norm[:, None] * jnp.take(xw, row, axis=0)
    out = jnp.zeros((num_nodes, W.shape[1]), dtype=x.dtype).at[col].add(msg)
    return out + b


def setup_inputs(seed: int = 0):
    key = jax.random.key(seed)
    ks = jax.random.split(key, 12)
    x = jax.random.normal(ks[0], (N, D), dtype=jnp.float32)
    edge_index_rel0 = jax.random.randint(ks[1], (2, E), 0, N, dtype=jnp.int32)
    edge_index_rel1 = jax.random.randint(ks[2], (2, E), 0, N, dtype=jnp.int32)
    W1_0 = jax.random.normal(ks[3], (D, H), dtype=jnp.float32) * (1.0 / np.sqrt(D))
    b1_0 = jnp.zeros((H,), dtype=jnp.float32)
    W1_1 = jax.random.normal(ks[4], (D, H), dtype=jnp.float32) * (1.0 / np.sqrt(D))
    b1_1 = jnp.zeros((H,), dtype=jnp.float32)
    W2_0 = jax.random.normal(ks[5], (H, O), dtype=jnp.float32) * (1.0 / np.sqrt(H))
    b2_0 = jnp.zeros((O,), dtype=jnp.float32)
    W2_1 = jax.random.normal(ks[6], (H, O), dtype=jnp.float32) * (1.0 / np.sqrt(H))
    b2_1 = jnp.zeros((O,), dtype=jnp.float32)
    return {
        "x": x,
        "edge_index_rel0": edge_index_rel0,
        "edge_index_rel1": edge_index_rel1,
        "W1_0": W1_0, "b1_0": b1_0,
        "W1_1": W1_1, "b1_1": b1_1,
        "W2_0": W2_0, "b2_0": b2_0,
        "W2_1": W2_1, "b2_1": b2_1,
    }


def reference(x, edge_index_rel0, edge_index_rel1, W1_0, b1_0, W1_1, b1_1, W2_0, b2_0, W2_1, b2_1):
    # Layer 1: HeteroConv(aggr='sum') over two relations, then relu
    h = gcn_conv(x, edge_index_rel0, W1_0, b1_0, N) + gcn_conv(x, edge_index_rel1, W1_1, b1_1, N)
    h = jax.nn.relu(h)
    # Layer 2: HeteroConv(aggr='sum') over two relations
    out = gcn_conv(h, edge_index_rel0, W2_0, b2_0, N) + gcn_conv(h, edge_index_rel1, W2_1, b2_1, N)
    return out

if __name__ == "__main__":
    import jax
    _d = setup_inputs()
    print(jax.jit(kernel)(*tuple(_d.values())))

</pallas_src>

<mosaic_0001>
#map = affine_map<(d0, d1) -> (0, 0)>
module attributes {stable_mosaic.version = 14 : i64} {
  func.func @deg_kernel(%arg0: i32, %arg1: i32, %arg2: memref<2432x128xi32, #tpu.memory_space<hbm>>, %arg3: memref<2432x128xi32, #tpu.memory_space<hbm>>, %arg4: memref<16x50048xf32, #tpu.memory_space<hbm>>, %arg5: memref<16x50048xf32, #tpu.memory_space<hbm>>, %arg6: memref<152x128xi32, #tpu.memory_space<vmem>>, %arg7: memref<50048xf32, #tpu.memory_space<vmem>>) attributes {dimension_semantics = [#tpu.dimension_semantics<core_parallel>, #tpu.dimension_semantics<subcore_parallel>], iteration_bounds = array<i64: 2, 16>, scalar_prefetch = 0 : i64, scratch_operands = 2 : i64, tpu.core_type = #tpu.core_type<sc_vector_subcore>, window_params = [{transform_indices = #map}, {transform_indices = #map}, {transform_indices = #map}, {transform_indices = #map}]} {
    %scan3A = arith.constant 0 : i32
    %scan3A_0 = arith.constant 3128 : i32
    %scan3A_1 = arith.addi %scan3A, %scan3A_0 : i32
    %scan3A_2 = arith.constant 1 : i32
    scf.for %scan3A_11 = %scan3A to %scan3A_1 step %scan3A_2  : i32 {
      %mul3A = arith.constant 1 : i32
      %mul3A_12 = arith.muli %scan3A_11, %mul3A : i32
      %add3A = arith.constant 0 : i32
      %add3A_13 = arith.addi %add3A, %mul3A_12 : i32
      %broadcast_in_dim3A = arith.constant 0.000000e+00 : f32
      %broadcast_in_dim3A_14 = vector.broadcast %broadcast_in_dim3A : f32 to vector<16xf32>
      %mul3A_15 = arith.constant 16 : i32
      %mul3A_16 = arith.muli %add3A_13, %mul3A_15 : i32
      %swap3A = arith.index_cast %mul3A_16 : i32 to index
      %swap3A_17 = tpu.vector_load %arg7[%swap3A] {strides = array<i32>} : memref<50048xf32, #tpu.memory_space<vmem>>, vector<16xf32>,
      tpu.vector_store %arg7[%swap3A], %broadcast_in_dim3A_14 {strides = array<i32>} : memref<50048xf32, #tpu.memory_space<vmem>>, vector<16xf32>,
    }
    %scan3A_3 = arith.constant 3128 : i32
    %eq3A = arith.constant 0 : i32
    %eq3A_4 = arith.cmpi eq, %arg0, %eq3A : i32
    %convert_element_type3A = arith.extui %eq3A_4 : i1 to i32
    %cond3A = arith.constant 0 : i32
    %cond3A_5 = arith.cmpi ne, %convert_element_type3A, %cond3A : i32
    scf.if %cond3A_5 {
      %mul3A = arith.constant 152 : i32
      %mul3A_11 = arith.muli %arg1, %mul3A : i32
      "tpu.region"() ({
        %run_scoped3A = tpu.sem_alloc : memref<!tpu.dma_semaphore, #tpu.memory_space<semaphore_mem>>
        %dma_start3A = arith.constant 0 : i32
        %dma_start3A_17 = tpu.memref_slice %arg2[%mul3A_11, %dma_start3A] : memref<2432x128xi32, #tpu.memory_space<hbm>> -> memref<152x128xi32, #tpu.memory_space<hbm>>
        %dma_start3A_18 = arith.constant 0 : i32
        %dma_start3A_19 = tpu.memref_slice %arg2[%mul3A_11, %dma_start3A_18] : memref<2432x128xi32, #tpu.memory_space<hbm>> -> memref<152x128xi32, #tpu.memory_space<hbm>>
        tpu.enqueue_dma source(%dma_start3A_19 : memref<152x128xi32, #tpu.memory_space<hbm>>) target(%arg6 : memref<152x128xi32, #tpu.memory_space<vmem>>) target_semaphore(%run_scoped3A : memref<!tpu.dma_semaphore, #tpu.memory_space<semaphore_mem>>)
        %dma_wait3A = arith.constant 0 : i32
        %dma_wait3A_20 = tpu.memref_slice %arg2[%mul3A_11, %dma_wait3A] : memref<2432x128xi32, #tpu.memory_space<hbm>> -> memref<152x128xi32, #tpu.memory_space<hbm>>
        %dma_wait3A_21 = arith.constant 0 : i32
        %dma_wait3A_22 = tpu.memref_slice %arg2[%mul3A_11, %dma_wait3A_21] : memref<2432x128xi32, #tpu.memory_space<hbm>> -> memref<152x128xi32, #tpu.memory_space<hbm>>
        tpu.wait_dma2 semaphore(%run_scoped3A : memref<!tpu.dma_semaphore, #tpu.memory_space<semaphore_mem>>) src(%dma_wait3A_22 : memref<152x128xi32, #tpu.memory_space<hbm>>) dst(%arg6 : memref<152x128xi32, #tpu.memory_space<vmem>>)
        tpu.yield
      }) : () -> ()
      %scan3A_12 = arith.constant 0 : i32
      %scan3A_13 = arith.constant 152 : i32
      %scan3A_14 = arith.addi %scan3A_12, %scan3A_13 : i32
      %scan3A_15 = arith.constant 1 : i32
      scf.for %scan3A_17 = %scan3A_12 to %scan3A_14 step %scan3A_15  : i32 {
        %mul3A_18 = arith.constant 1 : i32
        %mul3A_19 = arith.muli %scan3A_17, %mul3A_18 : i32
        %add3A = arith.constant 0 : i32
        %add3A_20 = arith.addi %add3A, %mul3A_19 : i32
        %scan3A_21 = arith.constant 0 : i32
        %scan3A_22 = arith.constant 8 : i32
        %scan3A_23 = arith.addi %scan3A_21, %scan3A_22 : i32
        %scan3A_24 = arith.constant 1 : i32
        scf.for %scan3A_26 = %scan3A_21 to %scan3A_23 step %scan3A_24  : i32 {
          %mul3A_27 = arith.constant 1 : i32
          %mul3A_28 = arith.muli %scan3A_26, %mul3A_27 : i32
          %add3A_29 = arith.constant 0 : i32
          %add3A_30 = arith.addi %add3A_29, %mul3A_28 : i32
          %mul3A_31 = arith.constant 16 : i32
          %mul3A_32 = arith.muli %add3A_30, %mul3A_31 : i32
          %get3A = arith.index_cast %add3A_20 : i32 to index
          %get3A_33 = arith.index_cast %mul3A_32 : i32 to index
          %get3A_34 = tpu.vector_load %arg6[%get3A, %get3A_33] {strides = array<i32>} : memref<152x128xi32, #tpu.memory_space<vmem>>, vector<16xi32>,
          %broadcast_in_dim3A = arith.constant 1.000000e+00 : f32
          %broadcast_in_dim3A_35 = vector.broadcast %broadcast_in_dim3A : f32 to vector<16xf32>
          tpu.vector_store_idx %arg7[%get3A_34], %broadcast_in_dim3A_35 {add = true} : memref<50048xf32, #tpu.memory_space<vmem>>[vector<16xi32>], vector<16xf32>,
        }
        %scan3A_25 = arith.constant 8 : i32
      }
      %scan3A_16 = arith.constant 152 : i32
      "tpu.region"() ({
        %run_scoped3A = tpu.sem_alloc : memref<!tpu.dma_semaphore, #tpu.memory_space<semaphore_mem>>
        %dma_start3A = arith.constant 0 : i32
        %dma_start3A_17 = tpu.memref_slice %arg4[%arg1, %dma_start3A] : memref<16x50048xf32, #tpu.memory_space<hbm>> -> memref<1x50048xf32, #tpu.memory_space<hbm>>
        %dma_start3A_18 = tpu.memref_squeeze %dma_start3A_17 : memref<1x50048xf32, #tpu.memory_space<hbm>> -> memref<50048xf32, #tpu.memory_space<hbm>>
        %dma_start3A_19 = arith.constant 0 : i32
        %dma_start3A_20 = tpu.memref_slice %arg4[%arg1, %dma_start3A_19] : memref<16x50048xf32, #tpu.memory_space<hbm>> -> memref<1x50048xf32, #tpu.memory_space<hbm>>
        %dma_start3A_21 = tpu.memref_squeeze %dma_start3A_20 : memref<1x50048xf32, #tpu.memory_space<hbm>> -> memref<50048xf32, #tpu.memory_space<hbm>>
        tpu.enqueue_dma source(%arg7 : memref<50048xf32, #tpu.memory_space<vmem>>) target(%dma_start3A_21 : memref<50048xf32, #tpu.memory_space<hbm>>) target_semaphore(%run_scoped3A : memref<!tpu.dma_semaphore, #tpu.memory_space<semaphore_mem>>)
        %dma_wait3A = arith.constant 0 : i32
        %dma_wait3A_22 = tpu.memref_slice %arg4[%arg1, %dma_wait3A] : memref<16x50048xf32, #tpu.memory_space<hbm>> -> memref<1x50048xf32, #tpu.memory_space<hbm>>
        %dma_wait3A_23 = tpu.memref_squeeze %dma_wait3A_22 : memref<1x50048xf32, #tpu.memory_space<hbm>> -> memref<50048xf32, #tpu.memory_space<hbm>>
        %dma_wait3A_24 = arith.constant 0 : i32
        %dma_wait3A_25 = tpu.memref_slice %arg4[%arg1, %dma_wait3A_24] : memref<16x50048xf32, #tpu.memory_space<hbm>> -> memref<1x50048xf32, #tpu.memory_space<hbm>>
        %dma_wait3A_26 = tpu.memref_squeeze %dma_wait3A_25 : memref<1x50048xf32, #tpu.memory_space<hbm>> -> memref<50048xf32, #tpu.memory_space<hbm>>
        tpu.wait_dma2 semaphore(%run_scoped3A : memref<!tpu.dma_semaphore, #tpu.memory_space<semaphore_mem>>) src(%arg7 : memref<50048xf32, #tpu.memory_space<vmem>>) dst(%dma_wait3A_26 : memref<50048xf32, #tpu.memory_space<hbm>>)
        tpu.yield
      }) : () -> ()
    } else {
    }
    %eq3A_6 = arith.constant 1 : i32
    %eq3A_7 = arith.cmpi eq, %arg0, %eq3A_6 : i32
    %convert_element_type3A_8 = arith.extui %eq3A_7 : i1 to i32
    %cond3A_9 = arith.constant 0 : i32
    %cond3A_10 = arith.cmpi ne, %convert_element_type3A_8, %cond3A_9 : i32
    scf.if %cond3A_10 {
      %mul3A = arith.constant 152 : i32
      %mul3A_11 = arith.muli %arg1, %mul3A : i32
      "tpu.region"() ({
        %run_scoped3A = tpu.sem_alloc : memref<!tpu.dma_semaphore, #tpu.memory_space<semaphore_mem>>
        %dma_start3A = arith.constant 0 : i32
        %dma_start3A_17 = tpu.memref_slice %arg3[%mul3A_11, %dma_start3A] : memref<2432x128xi32, #tpu.memory_space<hbm>> -> memref<152x128xi32, #tpu.memory_space<hbm>>
        %dma_start3A_18 = arith.constant 0 : i32
        %dma_start3A_19 = tpu.memref_slice %arg3[%mul3A_11, %dma_start3A_18] : memref<2432x128xi32, #tpu.memory_space<hbm>> -> memref<152x128xi32, #tpu.memory_space<hbm>>
        tpu.enqueue_dma source(%dma_start3A_19 : memref<152x128xi32, #tpu.memory_space<hbm>>) target(%arg6 : memref<152x128xi32, #tpu.memory_space<vmem>>) target_semaphore(%run_scoped3A : memref<!tpu.dma_semaphore, #tpu.memory_space<semaphore_mem>>)
        %dma_wait3A = arith.constant 0 : i32
        %dma_wait3A_20 = tpu.memref_slice %arg3[%mul3A_11, %dma_wait3A] : memref<2432x128xi32, #tpu.memory_space<hbm>> -> memref<152x128xi32, #tpu.memory_space<hbm>>
        %dma_wait3A_21 = arith.constant 0 : i32
        %dma_wait3A_22 = tpu.memref_slice %arg3[%mul3A_11, %dma_wait3A_21] : memref<2432x128xi32, #tpu.memory_space<hbm>> -> memref<152x128xi32, #tpu.memory_space<hbm>>
        tpu.wait_dma2 semaphore(%run_scoped3A : memref<!tpu.dma_semaphore, #tpu.memory_space<semaphore_mem>>) src(%dma_wait3A_22 : memref<152x128xi32, #tpu.memory_space<hbm>>) dst(%arg6 : memref<152x128xi32, #tpu.memory_space<vmem>>)
        tpu.yield
      }) : () -> ()
      %scan3A_12 = arith.constant 0 : i32
      %scan3A_13 = arith.constant 152 : i32
      %scan3A_14 = arith.addi %scan3A_12, %scan3A_13 : i32
      %scan3A_15 = arith.constant 1 : i32
      scf.for %scan3A_17 = %scan3A_12 to %scan3A_14 step %scan3A_15  : i32 {
        %mul3A_18 = arith.constant 1 : i32
        %mul3A_19 = arith.muli %scan3A_17, %mul3A_18 : i32
        %add3A = arith.constant 0 : i32
        %add3A_20 = arith.addi %add3A, %mul3A_19 : i32
        %scan3A_21 = arith.constant 0 : i32
        %scan3A_22 = arith.constant 8 : i32
        %scan3A_23 = arith.addi %scan3A_21, %scan3A_22 : i32
        %scan3A_24 = arith.constant 1 : i32
        scf.for %scan3A_26 = %scan3A_21 to %scan3A_23 step %scan3A_24  : i32 {
          %mul3A_27 = arith.constant 1 : i32
          %mul3A_28 = arith.muli %scan3A_26, %mul3A_27 : i32
          %add3A_29 = arith.constant 0 : i32
          %add3A_30 = arith.addi %add3A_29, %mul3A_28 : i32
          %mul3A_31 = arith.constant 16 : i32
          %mul3A_32 = arith.muli %add3A_30, %mul3A_31 : i32
          %get3A = arith.index_cast %add3A_20 : i32 to index
          %get3A_33 = arith.index_cast %mul3A_32 : i32 to index
          %get3A_34 = tpu.vector_load %arg6[%get3A, %get3A_33] {strides = array<i32>} : memref<152x128xi32, #tpu.memory_space<vmem>>, vector<16xi32>,
          %broadcast_in_dim3A = arith.constant 1.000000e+00 : f32
          %broadcast_in_dim3A_35 = vector.broadcast %broadcast_in_dim3A : f32 to vector<16xf32>
          tpu.vector_store_idx %arg7[%get3A_34], %broadcast_in_dim3A_35 {add = true} : memref<50048xf32, #tpu.memory_space<vmem>>[vector<16xi32>], vector<16xf32>,
        }
        %scan3A_25 = arith.constant 8 : i32
      }
      %scan3A_16 = arith.constant 152 : i32
      "tpu.region"() ({
        %run_scoped3A = tpu.sem_alloc : memref<!tpu.dma_semaphore, #tpu.memory_space<semaphore_mem>>
        %dma_start3A = arith.constant 0 : i32
        %dma_start3A_17 = tpu.memref_slice %arg5[%arg1, %dma_start3A] : memref<16x50048xf32, #tpu.memory_space<hbm>> -> memref<1x50048xf32, #tpu.memory_space<hbm>>
        %dma_start3A_18 = tpu.memref_squeeze %dma_start3A_17 : memref<1x50048xf32, #tpu.memory_space<hbm>> -> memref<50048xf32, #tpu.memory_space<hbm>>
        %dma_start3A_19 = arith.constant 0 : i32
        %dma_start3A_20 = tpu.memref_slice %arg5[%arg1, %dma_start3A_19] : memref<16x50048xf32, #tpu.memory_space<hbm>> -> memref<1x50048xf32, #tpu.memory_space<hbm>>
        %dma_start3A_21 = tpu.memref_squeeze %dma_start3A_20 : memref<1x50048xf32, #tpu.memory_space<hbm>> -> memref<50048xf32, #tpu.memory_space<hbm>>
        tpu.enqueue_dma source(%arg7 : memref<50048xf32, #tpu.memory_space<vmem>>) target(%dma_start3A_21 : memref<50048xf32, #tpu.memory_space<hbm>>) target_semaphore(%run_scoped3A : memref<!tpu.dma_semaphore, #tpu.memory_space<semaphore_mem>>)
        %dma_wait3A = arith.constant 0 : i32
        %dma_wait3A_22 = tpu.memref_slice %arg5[%arg1, %dma_wait3A] : memref<16x50048xf32, #tpu.memory_space<hbm>> -> memref<1x50048xf32, #tpu.memory_space<hbm>>
        %dma_wait3A_23 = tpu.memref_squeeze %dma_wait3A_22 : memref<1x50048xf32, #tpu.memory_space<hbm>> -> memref<50048xf32, #tpu.memory_space<hbm>>
        %dma_wait3A_24 = arith.constant 0 : i32
        %dma_wait3A_25 = tpu.memref_slice %arg5[%arg1, %dma_wait3A_24] : memref<16x50048xf32, #tpu.memory_space<hbm>> -> memref<1x50048xf32, #tpu.memory_space<hbm>>
        %dma_wait3A_26 = tpu.memref_squeeze %dma_wait3A_25 : memref<1x50048xf32, #tpu.memory_space<hbm>> -> memref<50048xf32, #tpu.memory_space<hbm>>
        tpu.wait_dma2 semaphore(%run_scoped3A : memref<!tpu.dma_semaphore, #tpu.memory_space<semaphore_mem>>) src(%arg7 : memref<50048xf32, #tpu.memory_space<vmem>>) dst(%dma_wait3A_26 : memref<50048xf32, #tpu.memory_space<hbm>>)
        tpu.yield
      }) : () -> ()
    } else {
    }
    return
  }
}

</mosaic_0001>

<sc_bundles>
// kernel: _deg_call.3.cloned.1.call-start
scs
__scs_entry_jumppad:
0x0: {  	(pc) =	sbr.rel $0x88, $3  }
0x1: {  	(tag) =	ssettag $0x0;
	lr =	simm.s32 $0x1  }
0x2: {  	[smem:$0x3F9F] =	sst lr;
	_ =	strace $0xD0000000  }
0x3: {  	_ = 	snop  }
0x4: {  	_ = 	snop  }
0x5: {  	_ = 	snop  }
0x6: {  	_ = 	snop  }
0x7: {  	_ = 	snop  }
__scs_overlays_trampoline_lowered:
0x8: {  	[smem:$0x3FAE] =	sst s0  }
0x9: {  	[smem:$0x3FAF] =	sst s1  }
0xa: {  	[smem:$0x3FB0] =	sst s2  }
0xb: {  	[smem:$0x3FB1] =	sst s3  }
0xc: {  	[smem:$0x3FB2] =	sst s4  }
0xd: {  	[smem:$0x3FB3] =	sst s5  }
0xe: {  	[smem:$0x3FB4] =	sst s6  }
0xf: {  	[smem:$0x3FB5] =	sst s7  }
0x10: {  	[smem:$0x3FB6] =	sst s8  }
0x11: {  	[smem:$0x3FB7] =	sst s9;
	s0 =	simm.s32 @!p0 $0x0  }
0x12: {  	s1 =	sld [smem:$0x3F9D];
	s0 =	simm.s32 @p0 $0x1  }
0x13: {  	[smem:$0x3FB8] =	sst s0;
	s0 =	simm.s32 @!p1 $0x0  }
0x14: {  	s2 =	sld [smem:$0x3F9C];
	s0 =	simm.s32 @p1 $0x1  }
0x15: {  	[smem:$0x3FB9] =	sst s0;
	s0 =	simm.s32 @!p2 $0x0  }
0x16: {  	s3 =	sld [smem:$0x3FDB];
	s0 =	simm.s32 @p2 $0x1  }
0x17: {  	s4 =	simm.s32 $0x1BF5;
	[smem:$0x3FBB] =	sst s0  }
0x18: {  	s0 =	sld [smem:$0x3F9E];
	_ =	swait.ge [sflag:s4], $0x0  }
0x19: {  	s7 =	sld [smem:$0x3F9F]  }
0x1a: {  	s8 =	sadd.s32 $0xFFFFE003, lr  }
0x1b: {  	s9 =	sadd.s32 $0xFFFFFEF7, lr;
	s5 =	simm.s32 $0xFFFFFFFF;
	p2 =	slt.u32 s8, $0xFFFFF086  }
0x1c: {  	p1 =	slt.u32 s9, $0xF7A;
	s5 =	simm.s32 @!p2 $0x0  }
0x1d: {  	s5 =	simm.s32 @p1 $0x1;
	p0 =	seq.s32 s7, s2  }
0x1e: {  	s7 =	smul.u32 @!p0 $0xF7A, s2;
	p2 =	seq.s32 @!p0 s5, $0x0  }
0x1f: {  	s9 =	smul.u32 $0xF7A, s1;
	s8 =	simm.s32 @!p0 $0x1BF5;
	p2 =	por !p2, p0  }
0x20: {  	[sflag:s8] =	ssyncset.s32 @!p0 $0xFFFFF086;
	s6 =	sadd.s32 @!p0 s3, s7;
	s7 =	simm.s32 @!p0 $0x108  }
0x21: {  	s3 =	sadd.s32 s3, s9;
	s6 =	sadd.s32 @!p0 $0x88, s6;
	s7 =	simm.s32 @p2 $0x1082  }
0x22: {  	[simem:s7], [sflag:s8] =	dma.local @!p0 [hbm:s6], $0xF7A  }
0x23: {  	s9 =	sor.u32 $0xD0000000, s2;
	s6 =	simm.s32 $0x108;
	_ =	swait.ge @!p0 [sflag:s8], $0x0  }
0x24: {  	s3 =	sadd.s32 $0x88, s3;
	s6 =	simm.s32 @!p1 $0x1082;
	[sflag:s4] =	ssyncset.s32 $0xFFFFF086  }
0x25: {  	[simem:s6], [sflag:s4] =	dma.local [hbm:s3], $0xF7A  }
0x26: {  	[smem:$0x3F9F] =	sst s1;
	(tag) =	ssettag s2;
	_ =	strace s9  }
0x27: {  	s1 =	sld [smem:$0x3FAF]  }
0x28: {  	s2 =	sld [smem:$0x3FB0]  }
0x29: {  	s4 =	sld [smem:$0x3FB2]  }
0x2a: {  	p0 =	seq.s32 s5, $0x0;
	s5 =	sld [smem:$0x3FB3]  }
0x2b: {  	s6 =	sld [smem:$0x3FB4]  }
0x2c: {  	s7 =	sld [smem:$0x3FB5]  }
0x2d: {  	s3 =	simm.s32 $0x108;
	s8 =	sld [smem:$0x3FB6]  }
0x2e: {  	s3 =	simm.s32 @!p0 $0x1082;
	s9 =	sld [smem:$0x3FB7]  }
0x2f: {  	lr =	sadd.s32 s0, s3;
	s0 =	sld [smem:$0x3FAE]  }
0x30: {  	s3 =	sld [smem:$0x3FB1]  }
0x31: {  	[smem:$0x3FBA] =	sst s10  }
0x32: {  	s10 =	sld [smem:$0x3FB8];
	_ =	sdelay $0x3  }
0x33: {  	p0 =	seq.s32 s10, $0x1;
	s10 =	sld [smem:$0x3FBA];
	_ =	sdelay $0x3  }
0x34: {  	[smem:$0x3FBA] =	sst s10  }
0x35: {  	s10 =	sld [smem:$0x3FB9];
	_ =	sdelay $0x3  }
0x36: {  	p1 =	seq.s32 s10, $0x1;
	s10 =	sld [smem:$0x3FBA];
	_ =	sdelay $0x3  }
0x37: {  	[smem:$0x3FBA] =	sst s10  }
0x38: {  	s10 =	sld [smem:$0x3FBB]  }
0x39: {  	_ = 	snop;
	(pc) =	sbr.ind lr, $3  }
0x3a: {  	_ = 	snop  }
0x3b: {  	_ = 	snop  }
0x3c: {  	p2 =	seq.s32 s10, $0x1;
	s10 =	sld [smem:$0x3FBA]  }
0x3d: {  	_ =	shalt  }
0x3e: {  	_ =	shalt  }
0x3f: {  	_ =	shalt  }
0x40: {  	_ =	shalt  }
0x41: {  	_ =	shalt  }
0x42: {  	_ =	shalt  }
0x43: {  	_ =	shalt  }
0x44: {  	_ =	shalt  }
0x45: {  	_ =	shalt  }
0x46: {  	_ =	shalt  }
0x47: {  	_ =	shalt  }
0x48: {  	_ =	shalt  }
0x49: {  	_ =	shalt  }
0x4a: {  	_ =	shalt  }
0x4b: {  	_ =	shalt  }
0x4c: {  	_ =	shalt  }
0x4d: {  	_ =	shalt  }
0x4e: {  	_ =	shalt  }
0x4f: {  	_ =	shalt  }
0x50: {  	_ =	shalt  }
0x51: {  	_ =	shalt  }
0x52: {  	_ =	shalt  }
0x53: {  	_ =	shalt  }
0x54: {  	_ =	shalt  }
0x55: {  	_ =	shalt  }
0x56: {  	_ =	shalt  }
0x57: {  	_ =	shalt  }
0x58: {  	_ =	shalt  }
0x59: {  	_ =	shalt  }
0x5a: {  	_ =	shalt  }
0x5b: {  	_ =	shalt  }
0x5c: {  	_ =	shalt  }
0x5d: {  	_ =	shalt  }
0x5e: {  	_ =	shalt  }
0x5f: {  	_ =	shalt  }
0x60: {  	_ =	shalt  }
0x61: {  	_ =	shalt  }
0x62: {  	_ =	shalt  }
0x63: {  	_ =	shalt  }
0x64: {  	_ =	shalt  }
0x65: {  	_ =	shalt  }
0x66: {  	_ =	shalt  }
0x67: {  	_ =	shalt  }
0x68: {  	_ =	shalt  }
0x69: {  	_ =	shalt  }
0x6a: {  	_ =	shalt  }
0x6b: {  	_ =	shalt  }
0x6c: {  	_ =	shalt  }
0x6d: {  	_ =	shalt  }
0x6e: {  	_ =	shalt  }
0x6f: {  	_ =	shalt  }
0x70: {  	_ =	shalt  }
0x71: {  	_ =	shalt  }
0x72: {  	_ =	shalt  }
0x73: {  	_ =	shalt  }
0x74: {  	_ =	shalt  }
0x75: {  	_ =	shalt  }
0x76: {  	_ =	shalt  }
0x77: {  	_ =	shalt  }
0x78: {  	_ =	shalt  }
0x79: {  	_ =	shalt  }
0x7a: {  	_ =	shalt  }
0x7b: {  	_ =	shalt  }
0x7c: {  	_ =	shalt  }
0x7d: {  	_ =	shalt  }
0x7e: {  	_ =	shalt  }
0x7f: {  	_ =	shalt  }
0x80: {  	_ =	shalt  }
0x81: {  	_ =	shalt  }
0x82: {  	_ =	shalt  }
0x83: {  	_ =	shalt  }
0x84: {  	_ =	shalt  }
0x85: {  	_ =	shalt  }
0x86: {  	_ =	shalt  }
0x87: {  	_ =	shalt  }
.Lfunc_end0:
.L_simem_size_0:
called_computation_lowered:
.L_overlay_start_0:
0x88: {  	s2 =	sld [smem:$0x3FD9]  }
0x89: {  	s3 =	sld [smem:$0x3FFE];
	_ =	sdelay $0x1  }
0x8a: {  	s1 =	srdreg.scid  }
0x8b: {  	s0 =	sand.u32 $0x1, s1  }
0x8c: {  	s15 =	sshll.u32 s0, $0xA;
	s2 =	sadd.s32 s3, s2  }
0x8d: {  	s2 =	sadd.s32 s2, s15  }
0x8e: {  	[smem:$0x3FC6] =	sst s2  }
0x8f: {  	_ = 	snop  }
0x90: {  	s2 =	sld [smem:$0x3FD0];
	_ =	sdelay $0x1  }
0x91: {  	s16 =	sld [smem:$0x3FC9]  }
0x92: {  	s5 =	simm.s32 $0xA;
	s6 =	simm.s32 $0x10;
	s4 =	sld [smem:$0x3FC8]  }
0x93: {  	[smem:s6], [sflag:s5] =	dma.local [hbm:s2], $0x1  }
0x94: {  	_ =	swait.eq [sflag:s5], $0x1  }
0x95: {  	[sflag:s5] =	ssyncset.done $0x0  }
0x96: {  	s17 =	sld [smem:$0x10];
	[sflag:s5] =	ssyncadd.s32 $0xFFFFFFFF  }
0x97: {  	s18 =	sld [smem:$0x11];
	(tm) =	ssettm $0x1  }
0x98: {  	s19 =	sld [smem:$0x3FFB];
	_ =	sdelay $0x3  }
0x99: {  	_ =	strace s19  }
0x9a: {  	s6 =	sld [smem:$0x3FFC];
	_ =	sdelay $0x3  }
0x9b: {  	_ =	strace s6  }
0x9c: {  	s6 =	sld [smem:$0x3FFD];
	_ =	sdelay $0x3  }
0x9d: {  	_ =	strace s6  }
0x9e: {  	_ =	strace $0x8FFFFFFF  }
0x9f: {  	s20 =	sld [smem:$0x3FDB];
	_ =	sdelay $0x1  }
0xa0: {  	s7 =	simm.s32 $_scs_section_size  }
0xa1: {  	s8 =	simm.s32 $_size__tile_overlayer_lowered;
	s9 =	simm.s32 $_tile_overlayer_lowered  }
0xa2: {  	s23 =	simm.s32 $0x1BFF;
	s22 =	sshll.u32 s9, $0x1;
	s6 =	sadd.s32 s7, s20  }
0xa3: {  	s10 =	simm.s32 $0x0;
	s21 =	sshll.u32 s8, $0x1;
	s8 =	sadd.s32 s22, s6  }
0xa4: {  	[timem:s10], [sflag:s23] =	dma.local [hbm:s8], s21  }
0xa5: {  	_ =	swait.ge [sflag:s23], s21  }
0xa6: {  	s7 =	ssub.s32 $0x0, s21;
	[sflag:s23] =	ssyncset.done $0x0  }
0xa7: {  	[sflag:s23] =	ssyncadd.s32 s7;
	_ =	sdelay $0x1  }
0xa8: {  	s24 =	simm.s32 $0x1B8B  }
0xa9: {  	_ =	swait.ge [sflag:s24], $0x1  }
0xaa: {  	[sflag:s24] =	ssyncset.done $0x0  }
0xab: {  	s25 =	simm.s32 $0x1B8E;
	[sflag:s24] =	ssyncadd.s32 $0xFFFFFFFF  }
0xac: {  	s26 =	simm.s32 $execute0_lowered;
	[smem:$0x3FD2] =	sst s25  }
0xad: {  	s7 =	sshll.u32 s26, $0x1;
	_ =	strace $0x80000046;
	[dreg:$0x1] =	wrdreg $0xFFFFFFFF  }
0xae: {  	s28 =	simm.s32 $_size_execute0_lowered;
	s6 =	sadd.s32 s6, s7;
	[dreg:$0x0] =	wrdreg $0x0  }
0xaf: {  	s7 =	sshll.u32 s28, $0x1;
	[dreg:$0x2] =	wrdreg s6  }
0xb0: {  	[dreg:$0x3] =	wrdreg s7  }
0xb1: {  	[dreg:$0x4] =	wrdreg $0xC0  }
0xb2: {  	_ =	task [dreg:s10], $0x5FFFF  }
0xb3: {  	[dreg:$0x1] =	wrdreg $0xFFFFFFFF  }
0xb4: {  	[dreg:$0x0] =	wrdreg $0x60  }
0xb5: {  	[dreg:$0x2] =	wrdreg s16  }
0xb6: {  	[dreg:$0x3] =	wrdreg s4  }
0xb7: {  	[dreg:$0x4] =	wrdreg s17  }
0xb8: {  	[dreg:$0x5] =	wrdreg s18  }
0xb9: {  	[dreg:$0x6] =	wrdreg $0x9  }
0xba: {  	_ =	task.clear_ibuf [dreg:s10], $0x7FFFF;
	_ =	strace $0x90000046  }
0xbb: {  	s29 =	simm.s32 $0x9;
	_ =	strace $0x80000048  }
0xbc: {  	_ =	swait.ge [sflag:s29], $0x1  }
0xbd: {  	[sflag:s29] =	ssyncadd.s32 $0xFFFFFFFF  }
0xbe: {  	_ =	strace $0x90000048  }
0xbf: {  	_ =	sfence  }
0xc0: {  	s30 =	sld [smem:$0x0];
	_ =	sdelay $0x2  }
0xc1: {  	s31 =	sshll.u32 s1, $0xD;
	s1 =	sshrl.u32 s1, $0x2  }
0xc2: {  	s3 =	sand.u32 $0x4000, s31;
	s1 =	sadd.s32 s1, s30  }
0xc3: {  	s0 =	sor.u32 s3, s0;
	s1 =	sshll.u32 s1, $0x11  }
0xc4: {  	s0 =	sor.u32 s1, s0  }
0xc5: {  	s0 =	sadd.s32 $0x8F2B, s0  }
0xc6: {  	[sflag:s0] =	ssyncadd.remote.s32 $0x1  }
0xc7: {  	_ =	sfence.sel $0xFFFF  }
0xc8: {  	[dreg:$0x0] =	wrdreg $0xFFFFFFFF;
	(pc) =	sbr.abs _section_cstart, $3  }
0xc9: {  	[dreg:$0x1] =	wrdreg $0xFFFFFFFF  }
0xca: {  	_ =	task.clear_ibuf [dreg:s10], $0x2FFFF;
	_ =	strace $0x9FFFFFFF  }
0xcb: {  	(tm) =	ssettm $0x7FFFFFFF  }
tec
execute0_lowered:
.L_overlay_start_1:
0x0: {  	(tag) =	ssettag $0x1  }
0x1: {  	s5 =	rddreg [dreg:$0x0]  }
0x2: {  	s7 =	rddreg [dreg:$0x1]  }
0x3: {  	s1 =	rddreg [dreg:$0x2]  }
0x4: {  	s2 =	rddreg [dreg:$0x3]  }
0x5: {  	s0 =	rddreg [dreg:$0x4];
	s4 =	simm.s32 $0x0;
	s6 =	srdreg.scid  }
0x6: {  	s3 =	stileid.u32;
	s13 =	simm.s32 $0x0;
	[smem:$0x7FF] =	sst s4  }
0x7: {  	s6 =	sand.u32 $0x1, s6;
	s8 =	sshrl.u32 s3, $0x3;
	s12 =	smul.u32 $0x980, s3  }
0x8: {  	s10 =	sshll.u32 s3, $0x7;
	_ =	strace $0x80000047;
	s8 =	smul.u32 $0x61C00, s8  }
.Ltmp0:
0x9: {  	s9 =	ssub.s32 $0x2, s6;
	s10 =	sand.u32 $0x380, s10;
	(pc) =	sbr.rel .LBB2_1-.Ltmp0, $4  }
0xa: {  	p0 =	seq.s32 s6, $0x1;
	s11 =	sshrl.u32 s9, $0x1;
	s5 =	sadd.s32 s5, s12  }
0xb: {  	s7 =	sadd.s32 s7, s12;
	s12 =	simm.s32 $0x400;
	s9 =	ssub.s32 s9, s11  }
0xc: {  	s31 =	sor.u32 s10, s8;
	s10 =	simm.s32 $0x4C00;
	s11 =	simm.s32 $0x80  }
0xd: {  	v0 =	vimm.f32 $0.0e+00;
	v1 =	vimm.f32 $1.000000000e+00;
	s6 =	sshrl.u32 s31, $0x3;
	s8 =	smax.u32 s9, $0x1;
	s9 =	simm.s32 $0x1  }
.LBB2_10:
0xe: {  	s13 =	sadd.s32 $0x1, s13  }
0xf: {  	p1 =	sne.s32 s13, s8  }
.Ltmp1:
0x10: {  	s14 =	sadd.s32 s14, s6;
	(pc) =	sbr.rel @!p1 .LBB2_11-.Ltmp1, $4  }
0x11: {  	[hbm4b:s14+s11] =	stream.strided.scatter [tilespmem:s10], [sflag:$0x1], $0xC380, s12, s11, $0x38;
	[tilespmem:$0x10F80] =	vst v63  }
0x12: {  	_ =	swait.ge [sflag:s9], $0xC380  }
0x13: {  	[sflag:s9] =	ssyncset.done $0x0  }
0x14: {  	[sflag:s9] =	ssyncadd.s32 $0xFFFF3C80  }
.LBB2_1:
0x15: {  	s14 =	simm.s32 $0x40;
	s15 =	simm.s32 $0x0  }
.LBB2_2:
0x16: {  	p1 =	sne.s32 s14, $0x30DC0;
	[tilespmem:s15+$0x4C00] =	vst v0;
	s15 =	smov.u32 s14;
	s14 =	sadd.s32 $0x40, s14  }
.Ltmp2:
0x17: {  	(pc) =	sbr.rel @p1 .LBB2_2-.Ltmp2, $2  }
0x18: {  	_ =	sdelay $0x2  }
0x19: {  	s15 =	sshra.s32 s15, $0x2  }
.Ltmp3:
0x1a: {  	(pc) =	sbr.rel @!p0 .LBB2_4-.Ltmp3, $2  }
0x1b: {  	_ =	sdelay $0x2  }
0x1c: {  	[tilespmem:s15+$0x4C00] =	vst v0  }
0x1d: {  	[tilespmem:s4], [sflag:$0x1] =	stream.linear.gather [hbm4b:s7+s4], $0x4C00, $0x38;
	[tilespmem:$0x10F80] =	vst v63  }
0x1e: {  	_ =	swait.ge [sflag:s9], $0x4C00  }
0x1f: {  	[sflag:s9] =	ssyncset.done $0x0  }
0x20: {  	s14 =	simm.s32 $0x1C0;
	[sflag:s9] =	ssyncadd.s32 $0xFFFFB400  }
.LBB2_8:
0x21: {  	s15 =	sshra.s32 s14, $0x2  }
0x22: {  	v2 =	vld [tilespmem:s15+$0xFFFFFF90];
	_ =	sdelay $0x7  }
0x23: {  	[tilespmem:v2+s10+$0x0] =	vst.idx.add.f32.msk $0xffff, v1  }
0x24: {  	v2 =	vld [tilespmem:s15+$0xFFFFFFA0];
	_ =	sdelay $0x7  }
0x25: {  	[tilespmem:v2+s10+$0x0] =	vst.idx.add.f32.msk $0xffff, v1  }
0x26: {  	v2 =	vld [tilespmem:s15+$0xFFFFFFB0];
	_ =	sdelay $0x7  }
0x27: {  	[tilespmem:v2+s10+$0x0] =	vst.idx.add.f32.msk $0xffff, v1  }
0x28: {  	v2 =	vld [tilespmem:s15+$0xFFFFFFC0];
	_ =	sdelay $0x7  }
0x29: {  	[tilespmem:v2+s10+$0x0] =	vst.idx.add.f32.msk $0xffff, v1  }
0x2a: {  	v2 =	vld [tilespmem:s15+$0xFFFFFFD0];
	_ =	sdelay $0x7  }
0x2b: {  	[tilespmem:v2+s10+$0x0] =	vst.idx.add.f32.msk $0xffff, v1  }
0x2c: {  	v2 =	vld [tilespmem:s15+$0xFFFFFFE0];
	_ =	sdelay $0x7  }
0x2d: {  	[tilespmem:v2+s10+$0x0] =	vst.idx.add.f32.msk $0xffff, v1  }
0x2e: {  	v2 =	vld [tilespmem:s15+$0xFFFFFFF0];
	_ =	sdelay $0x7  }
0x2f: {  	[tilespmem:v2+s10+$0x0] =	vst.idx.add.f32.msk $0xffff, v1  }
0x30: {  	v2 =	vld [tilespmem:s15+$0x0];
	_ =	sdelay $0x2  }
0x31: {  	p1 =	sne.s32 s14, $0x12FC0  }
.Ltmp4:
0x32: {  	_ = 	snop;
	(pc) =	sbr.rel @p1 .LBB2_8-.Ltmp4, $2  }
0x33: {  	_ =	sdelay $0x2  }
0x34: {  	s14 =	sadd.s32 $0x200, s14;
	[tilespmem:v2+s10+$0x0] =	vst.idx.add.f32.msk $0xffff, v1  }
.Ltmp5:
0x35: {  	(pc) =	sbr.rel .LBB2_10-.Ltmp5, $2  }
0x36: {  	_ =	sdelay $0x2  }
0x37: {  	s14 =	smov.u32 s2  }
.LBB2_4:
0x38: {  	[tilespmem:s4], [sflag:$0x1] =	stream.linear.gather [hbm4b:s5+s4], $0x4C00, $0x38;
	[tilespmem:$0x10F80] =	vst v63  }
0x39: {  	_ =	swait.ge [sflag:s9], $0x4C00  }
0x3a: {  	[sflag:s9] =	ssyncset.done $0x0  }
0x3b: {  	s14 =	simm.s32 $0x1C0;
	[sflag:s9] =	ssyncadd.s32 $0xFFFFB400  }
.LBB2_5:
0x3c: {  	s15 =	sshra.s32 s14, $0x2  }
0x3d: {  	v2 =	vld [tilespmem:s15+$0xFFFFFF90];
	_ =	sdelay $0x7  }
0x3e: {  	[tilespmem:v2+s10+$0x0] =	vst.idx.add.f32.msk $0xffff, v1  }
0x3f: {  	v2 =	vld [tilespmem:s15+$0xFFFFFFA0];
	_ =	sdelay $0x7  }
0x40: {  	[tilespmem:v2+s10+$0x0] =	vst.idx.add.f32.msk $0xffff, v1  }
0x41: {  	v2 =	vld [tilespmem:s15+$0xFFFFFFB0];
	_ =	sdelay $0x7  }
0x42: {  	[tilespmem:v2+s10+$0x0] =	vst.idx.add.f32.msk $0xffff, v1  }
0x43: {  	v2 =	vld [tilespmem:s15+$0xFFFFFFC0];
	_ =	sdelay $0x7  }
0x44: {  	[tilespmem:v2+s10+$0x0] =	vst.idx.add.f32.msk $0xffff, v1  }
0x45: {  	v2 =	vld [tilespmem:s15+$0xFFFFFFD0];
	_ =	sdelay $0x7  }
0x46: {  	[tilespmem:v2+s10+$0x0] =	vst.idx.add.f32.msk $0xffff, v1  }
0x47: {  	v2 =	vld [tilespmem:s15+$0xFFFFFFE0];
	_ =	sdelay $0x7  }
0x48: {  	[tilespmem:v2+s10+$0x0] =	vst.idx.add.f32.msk $0xffff, v1  }
0x49: {  	v2 =	vld [tilespmem:s15+$0xFFFFFFF0];
	_ =	sdelay $0x7  }
0x4a: {  	[tilespmem:v2+s10+$0x0] =	vst.idx.add.f32.msk $0xffff, v1  }
0x4b: {  	v2 =	vld [tilespmem:s15+$0x0];
	_ =	sdelay $0x2  }
0x4c: {  	p1 =	seq.s32 s14, $0x12FC0  }
.Ltmp6:
0x4d: {  	_ = 	snop;
	(pc) =	sbr.rel @!p1 .LBB2_5-.Ltmp6, $2  }
0x4e: {  	_ =	sdelay $0x2  }
0x4f: {  	s14 =	sadd.s32 $0x200, s14;
	[tilespmem:v2+s10+$0x0] =	vst.idx.add.f32.msk $0xffff, v1  }
.Ltmp7:
0x50: {  	(pc) =	sbr.rel .LBB2_10-.Ltmp7, $2  }
0x51: {  	_ =	sdelay $0x2  }
0x52: {  	s14 =	smov.u32 s1  }
.LBB2_11:
0x53: {  	_ =	sfence.sel $0x180000  }
0x54: {  	[bflag:$0x0] =	sbarrier.arrive $0xFFFF  }
0x55: {  	p0 =	sne.s32 s3, $0x0;
	_ =	strace $0x90000047  }
0x56: {  	s0 =	sadd.s32 @!p0 $0x100000, s0;
	[bflag:$0x2] =	sbarrier.arrive $0xFFFF  }
0x57: {  	[sflag:s0] =	ssyncadd.tile.s32 @!p0 $0x1;
	_ =	shalt  }
.Lfunc_end2:
_tile_overlayer_lowered:
.L_overlay_start_2:
0x58: {  	(tag) =	ssettag $0x2  }
0x59: {  	s0 =	rddreg [dreg:$0x0];
	s2 =	stileid.u32  }
0x5a: {  	s1 =	rddreg [dreg:$0x1];
	p0 =	sne.s32 s2, $0x0  }
0x5b: {  	s3 =	rddreg [dreg:$0x2];
	[bflag:$0x3] =	sbarrier.arrive $0xFFFF;
	s2 =	simm.s32 @!p0 $0x1C01  }
0x5c: {  	[timem:s3], [sflag:s2] =	dma.local @!p0 [hbm:s0], s1  }
0x5d: {  	s0 =	simm.s32 @!p0 $0x1  }
0x5e: {  	_ =	swait.ge @!p0 [sflag:s0], s1  }
0x5f: {  	s1 =	ssub.s32 @!p0 $0x0, s1;
	[sflag:s0] =	ssyncset.done @!p0 $0x0  }
0x60: {  	[sflag:s0] =	ssyncadd.s32 @!p0 s1  }
0x61: {  	[bflag:$0x3] =	sbarrier.arrive $0xFFFF  }
0x62: {  	_ =	shalt  }

</sc_bundles>
